<compile_context>
chip_gen: v7x
topology: tpu7x:2x2x1
jax: 0.10.2.dev20260603
libtpu: 0.0.44.dev20260713+nightly
codegen_flags: <defaults>
</compile_context>

<pallas_src>
import functools

import jax
import jax.numpy as jnp
from jax import lax
from jax.experimental import pallas as pl
from jax.experimental.pallas import tpu as pltpu
from jax.experimental.pallas import tpu_sc as plsc

_NUM_EMB = 1024
_EMB_SIZE = 8
_NB = 16384
_NSLOT = 26

_info = plsc.get_sparse_core_info()
_NC, _NS, _L = _info.num_cores, _info.num_subcores, _info.num_lanes
_NW = _NC * _NS
_BW = _NB // _NW
_GROUPS = _BW // _L


@functools.partial(
    pl.kernel,
    out_type=jax.ShapeDtypeStruct((_NSLOT, _EMB_SIZE, _NB), jnp.float32),
    mesh=plsc.VectorSubcoreMesh(core_axis_name="c", subcore_axis_name="s"),
    compiler_params=pltpu.CompilerParams(needs_layout_passes=False),
    scratch_types=[
        pltpu.VMEM((_EMB_SIZE, _NUM_EMB), jnp.float32),
        pltpu.VMEM((_NSLOT, _BW), jnp.int32),
        pltpu.VMEM((_NSLOT, _EMB_SIZE, _BW), jnp.float32),
        pltpu.SemaphoreType.DMA,
        pltpu.SemaphoreType.DMA,
    ],
)
def _gather_kernel(keys_hbm, table_hbm, out_hbm, table_v, keys_v, out_v,
                   in_sem, out_sem):
    wid = lax.axis_index("s") * _NC + lax.axis_index("c")
    b0 = wid * _BW

    tbl_cp = pltpu.async_copy(table_hbm, table_v, in_sem)
    key_cp = pltpu.async_copy(keys_hbm.at[:, pl.ds(b0, _BW)], keys_v, in_sem)
    tbl_cp.wait()
    key_cp.wait()

    iota = lax.iota(jnp.int32, _L)
    cvecs = [jnp.full((_L,), c, jnp.int32) for c in range(_EMB_SIZE)]

    def _slot(s, _):
        sfull = jnp.full((_L,), s, jnp.int32)

        @plsc.parallel_loop(0, _GROUPS, unroll=4)
        def _body(g):
            bvec = g * _L + iota
            keys16 = plsc.load_gather(keys_v, [sfull, bvec])
            for c in range(_EMB_SIZE):
                col = plsc.load_gather(table_v, [cvecs[c], keys16])
                plsc.store_scatter(out_v, [sfull, cvecs[c], bvec], col)

        pltpu.async_copy(out_v.at[s], out_hbm.at[s, :, pl.ds(b0, _BW)],
                         out_sem)
        return 0

    lax.fori_loop(0, _NSLOT, _slot, 0)
    pltpu.make_async_copy(out_hbm.at[:, :, pl.ds(b0, _BW)], out_v,
                          out_sem).wait()


def kernel(keys, table):
    keys_t = keys.T
    table_t = table.T
    p = _gather_kernel(keys_t, table_t)
    return p.transpose(2, 0, 1)

# --- scband reference (transcript-rebuilt; emitter-appended) ---
"""Pipeline reference for scband-simple-model-20633022890335 (READ-ONLY COPY).

The authoritative reference and input builder live on the scoring server;
editing this copy changes nothing except your own understanding.
"""

import jax, jax.numpy as jnp
import numpy as np

NUM_EMB = 1024
EMB_SIZE = 8

def setup_inputs(seed: int = 0) -> dict:
    key = jax.random.key(seed)
    k1, k2 = jax.random.split(key)
    keys = jax.random.randint(k1, (16384, 26), 0, NUM_EMB, dtype=jnp.int64 if jax.config.jax_enable_x64 else jnp.int32).astype(jnp.int32)
    table = jax.random.normal(k2, (NUM_EMB, EMB_SIZE), dtype=jnp.float32) * 0.05
    return {"keys": keys, "table": table}

def reference(keys, table):
    # NVEmbedding lookup: gather rows of the embedding table by key
    return jnp.take(table, keys, axis=0)

if __name__ == "__main__":
    import jax
    _d = setup_inputs()
    print(jax.jit(kernel)(*tuple(_d.values())))

</pallas_src>

<mosaic_0001>
#map = affine_map<(d0, d1) -> (0, 0)>
#map1 = affine_map<(d0, d1) -> (0, 0, 0)>
module attributes {stable_mosaic.version = 14 : i64} {
  func.func @_gather_kernel(%arg0: i32, %arg1: i32, %arg2: memref<26x16384xi32, #tpu.memory_space<hbm>>, %arg3: memref<8x1024xf32, #tpu.memory_space<hbm>>, %arg4: memref<26x8x16384xf32, #tpu.memory_space<hbm>>, %arg5: memref<8x1024xf32, #tpu.memory_space<vmem>>, %arg6: memref<26x512xi32, #tpu.memory_space<vmem>>, %arg7: memref<26x8x512xf32, #tpu.memory_space<vmem>>, %arg8: memref<!tpu.dma_semaphore, #tpu.memory_space<semaphore_mem>>, %arg9: memref<!tpu.dma_semaphore, #tpu.memory_space<semaphore_mem>>) attributes {dimension_semantics = [#tpu.dimension_semantics<core_parallel>, #tpu.dimension_semantics<subcore_parallel>], iteration_bounds = array<i64: 2, 16>, scalar_prefetch = 0 : i64, scratch_operands = 5 : i64, tpu.core_type = #tpu.core_type<sc_vector_subcore>, window_params = [{transform_indices = #map}, {transform_indices = #map}, {transform_indices = #map1}]} {
    %mul3A = arith.constant 2 : i32
    %mul3A_0 = arith.muli %arg1, %mul3A : i32
    %add3A = arith.addi %mul3A_0, %arg0 : i32
    %mul3A_1 = arith.constant 512 : i32
    %mul3A_2 = arith.muli %add3A, %mul3A_1 : i32
    tpu.enqueue_dma source(%arg3 : memref<8x1024xf32, #tpu.memory_space<hbm>>) target(%arg5 : memref<8x1024xf32, #tpu.memory_space<vmem>>) target_semaphore(%arg8 : memref<!tpu.dma_semaphore, #tpu.memory_space<semaphore_mem>>)
    %dma_start3A = arith.constant 0 : i32
    %dma_start3A_3 = tpu.memref_slice %arg2[%dma_start3A, %mul3A_2] : memref<26x16384xi32, #tpu.memory_space<hbm>> -> memref<26x512xi32, #tpu.memory_space<hbm>>
    %dma_start3A_4 = arith.constant 0 : i32
    %dma_start3A_5 = tpu.memref_slice %arg2[%dma_start3A_4, %mul3A_2] : memref<26x16384xi32, #tpu.memory_space<hbm>> -> memref<26x512xi32, #tpu.memory_space<hbm>>
    tpu.enqueue_dma source(%dma_start3A_5 : memref<26x512xi32, #tpu.memory_space<hbm>>) target(%arg6 : memref<26x512xi32, #tpu.memory_space<vmem>>) target_semaphore(%arg8 : memref<!tpu.dma_semaphore, #tpu.memory_space<semaphore_mem>>)
    tpu.wait_dma2 semaphore(%arg8 : memref<!tpu.dma_semaphore, #tpu.memory_space<semaphore_mem>>) src(%arg3 : memref<8x1024xf32, #tpu.memory_space<hbm>>) dst(%arg5 : memref<8x1024xf32, #tpu.memory_space<vmem>>)
    %dma_wait3A = arith.constant 0 : i32
    %dma_wait3A_6 = tpu.memref_slice %arg2[%dma_wait3A, %mul3A_2] : memref<26x16384xi32, #tpu.memory_space<hbm>> -> memref<26x512xi32, #tpu.memory_space<hbm>>
    %dma_wait3A_7 = arith.constant 0 : i32
    %dma_wait3A_8 = tpu.memref_slice %arg2[%dma_wait3A_7, %mul3A_2] : memref<26x16384xi32, #tpu.memory_space<hbm>> -> memref<26x512xi32, #tpu.memory_space<hbm>>
    tpu.wait_dma2 semaphore(%arg8 : memref<!tpu.dma_semaphore, #tpu.memory_space<semaphore_mem>>) src(%dma_wait3A_8 : memref<26x512xi32, #tpu.memory_space<hbm>>) dst(%arg6 : memref<26x512xi32, #tpu.memory_space<vmem>>)
    %iota3A = tpu.iota {dimensions = array<i32: 0>} : vector<16xi32>
    %broadcast_in_dim3A = arith.constant 0 : i32
    %broadcast_in_dim3A_9 = vector.broadcast %broadcast_in_dim3A : i32 to vector<16xi32>
    %broadcast_in_dim3A_10 = arith.constant 1 : i32
    %broadcast_in_dim3A_11 = vector.broadcast %broadcast_in_dim3A_10 : i32 to vector<16xi32>
    %broadcast_in_dim3A_12 = arith.constant 2 : i32
    %broadcast_in_dim3A_13 = vector.broadcast %broadcast_in_dim3A_12 : i32 to vector<16xi32>
    %broadcast_in_dim3A_14 = arith.constant 3 : i32
    %broadcast_in_dim3A_15 = vector.broadcast %broadcast_in_dim3A_14 : i32 to vector<16xi32>
    %broadcast_in_dim3A_16 = arith.constant 4 : i32
    %broadcast_in_dim3A_17 = vector.broadcast %broadcast_in_dim3A_16 : i32 to vector<16xi32>
    %broadcast_in_dim3A_18 = arith.constant 5 : i32
    %broadcast_in_dim3A_19 = vector.broadcast %broadcast_in_dim3A_18 : i32 to vector<16xi32>
    %broadcast_in_dim3A_20 = arith.constant 6 : i32
    %broadcast_in_dim3A_21 = vector.broadcast %broadcast_in_dim3A_20 : i32 to vector<16xi32>
    %broadcast_in_dim3A_22 = arith.constant 7 : i32
    %broadcast_in_dim3A_23 = vector.broadcast %broadcast_in_dim3A_22 : i32 to vector<16xi32>
    %scan3A = arith.constant 0 : i32
    %scan3A_24 = arith.constant 0 : i32
    %scan3A_25 = arith.constant 26 : i32
    %scan3A_26 = arith.addi %scan3A_24, %scan3A_25 : i32
    %scan3A_27 = arith.constant 1 : i32
    %scan3A_28 = scf.for %scan3A_36 = %scan3A_24 to %scan3A_26 step %scan3A_27 iter_args(%scan3A_37 = %scan3A) -> (i32)  : i32 {
      %broadcast_in_dim3A_38 = vector.broadcast %scan3A_36 : i32 to vector<16xi32>
      %parallel_loop3A = arith.constant 0 : i32
      %parallel_loop3A_39 = arith.constant 32 : i32
      %parallel_loop3A_40 = arith.constant 1 : i32
      scf.for %parallel_loop3A_56 = %parallel_loop3A to %parallel_loop3A_39 step %parallel_loop3A_40  : i32 {
        %parallel_loop3A_57 = arith.constant 16 : i32
        %parallel_loop3A_58 = arith.muli %parallel_loop3A_56, %parallel_loop3A_57 : i32
        %parallel_loop3A_59 = vector.broadcast %parallel_loop3A_58 : i32 to vector<16xi32>
        %parallel_loop3A_60 = arith.addi %parallel_loop3A_59, %iota3A : vector<16xi32>
        %parallel_loop3A_61 = tpu.vector_load_idx %arg6[%broadcast_in_dim3A_38, %parallel_loop3A_60] : memref<26x512xi32, #tpu.memory_space<vmem>>[vector<16xi32>, vector<16xi32>], vector<16xi32>,
        %parallel_loop3A_62 = tpu.vector_load_idx %arg5[%broadcast_in_dim3A_9, %parallel_loop3A_61] : memref<8x1024xf32, #tpu.memory_space<vmem>>[vector<16xi32>, vector<16xi32>], vector<16xf32>,
        tpu.vector_store_idx %arg7[%broadcast_in_dim3A_38, %broadcast_in_dim3A_9, %parallel_loop3A_60], %parallel_loop3A_62 : memref<26x8x512xf32, #tpu.memory_space<vmem>>[vector<16xi32>, vector<16xi32>, vector<16xi32>], vector<16xf32>,
        %parallel_loop3A_63 = tpu.vector_load_idx %arg5[%broadcast_in_dim3A_11, %parallel_loop3A_61] : memref<8x1024xf32, #tpu.memory_space<vmem>>[vector<16xi32>, vector<16xi32>], vector<16xf32>,
        tpu.vector_store_idx %arg7[%broadcast_in_dim3A_38, %broadcast_in_dim3A_11, %parallel_loop3A_60], %parallel_loop3A_63 : memref<26x8x512xf32, #tpu.memory_space<vmem>>[vector<16xi32>, vector<16xi32>, vector<16xi32>], vector<16xf32>,
        %parallel_loop3A_64 = tpu.vector_load_idx %arg5[%broadcast_in_dim3A_13, %parallel_loop3A_61] : memref<8x1024xf32, #tpu.memory_space<vmem>>[vector<16xi32>, vector<16xi32>], vector<16xf32>,
        tpu.vector_store_idx %arg7[%broadcast_in_dim3A_38, %broadcast_in_dim3A_13, %parallel_loop3A_60], %parallel_loop3A_64 : memref<26x8x512xf32, #tpu.memory_space<vmem>>[vector<16xi32>, vector<16xi32>, vector<16xi32>], vector<16xf32>,
        %parallel_loop3A_65 = tpu.vector_load_idx %arg5[%broadcast_in_dim3A_15, %parallel_loop3A_61] : memref<8x1024xf32, #tpu.memory_space<vmem>>[vector<16xi32>, vector<16xi32>], vector<16xf32>,
        tpu.vector_store_idx %arg7[%broadcast_in_dim3A_38, %broadcast_in_dim3A_15, %parallel_loop3A_60], %parallel_loop3A_65 : memref<26x8x512xf32, #tpu.memory_space<vmem>>[vector<16xi32>, vector<16xi32>, vector<16xi32>], vector<16xf32>,
        %parallel_loop3A_66 = tpu.vector_load_idx %arg5[%broadcast_in_dim3A_17, %parallel_loop3A_61] : memref<8x1024xf32, #tpu.memory_space<vmem>>[vector<16xi32>, vector<16xi32>], vector<16xf32>,
        tpu.vector_store_idx %arg7[%broadcast_in_dim3A_38, %broadcast_in_dim3A_17, %parallel_loop3A_60], %parallel_loop3A_66 : memref<26x8x512xf32, #tpu.memory_space<vmem>>[vector<16xi32>, vector<16xi32>, vector<16xi32>], vector<16xf32>,
        %parallel_loop3A_67 = tpu.vector_load_idx %arg5[%broadcast_in_dim3A_19, %parallel_loop3A_61] : memref<8x1024xf32, #tpu.memory_space<vmem>>[vector<16xi32>, vector<16xi32>], vector<16xf32>,
        tpu.vector_store_idx %arg7[%broadcast_in_dim3A_38, %broadcast_in_dim3A_19, %parallel_loop3A_60], %parallel_loop3A_67 : memref<26x8x512xf32, #tpu.memory_space<vmem>>[vector<16xi32>, vector<16xi32>, vector<16xi32>], vector<16xf32>,
        %parallel_loop3A_68 = tpu.vector_load_idx %arg5[%broadcast_in_dim3A_21, %parallel_loop3A_61] : memref<8x1024xf32, #tpu.memory_space<vmem>>[vector<16xi32>, vector<16xi32>], vector<16xf32>,
        tpu.vector_store_idx %arg7[%broadcast_in_dim3A_38, %broadcast_in_dim3A_21, %parallel_loop3A_60], %parallel_loop3A_68 : memref<26x8x512xf32, #tpu.memory_space<vmem>>[vector<16xi32>, vector<16xi32>, vector<16xi32>], vector<16xf32>,
        %parallel_loop3A_69 = tpu.vector_load_idx %arg5[%broadcast_in_dim3A_23, %parallel_loop3A_61] : memref<8x1024xf32, #tpu.memory_space<vmem>>[vector<16xi32>, vector<16xi32>], vector<16xf32>,
        tpu.vector_store_idx %arg7[%broadcast_in_dim3A_38, %broadcast_in_dim3A_23, %parallel_loop3A_60], %parallel_loop3A_69 : memref<26x8x512xf32, #tpu.memory_space<vmem>>[vector<16xi32>, vector<16xi32>, vector<16xi32>], vector<16xf32>,
      } {sc.loop_unroll_factor = 4 : i64, sc.parallel_access}
      %dma_start3A_41 = arith.constant 0 : i32
      %dma_start3A_42 = arith.constant 0 : i32
      %dma_start3A_43 = tpu.memref_slice %arg7[%scan3A_36, %dma_start3A_41, %dma_start3A_42] : memref<26x8x512xf32, #tpu.memory_space<vmem>> -> memref<1x8x512xf32, #tpu.memory_space<vmem>>
      %dma_start3A_44 = tpu.memref_squeeze %dma_start3A_43 : memref<1x8x512xf32, #tpu.memory_space<vmem>> -> memref<8x512xf32, #tpu.memory_space<vmem>>
      %dma_start3A_45 = arith.constant 0 : i32
      %dma_start3A_46 = tpu.memref_slice %arg4[%scan3A_36, %dma_start3A_45, %mul3A_2] : memref<26x8x16384xf32, #tpu.memory_space<hbm>> -> memref<1x8x512xf32, #tpu.memory_space<hbm>>
      %dma_start3A_47 = tpu.memref_squeeze %dma_start3A_46 : memref<1x8x512xf32, #tpu.memory_space<hbm>> -> memref<8x512xf32, #tpu.memory_space<hbm>>
      %dma_start3A_48 = arith.constant 0 : i32
      %dma_start3A_49 = tpu.memref_slice %arg4[%scan3A_36, %dma_start3A_48, %mul3A_2] : memref<26x8x16384xf32, #tpu.memory_space<hbm>> -> memref<1x8x512xf32, #tpu.memory_space<hbm>>
      %dma_start3A_50 = tpu.memref_squeeze %dma_start3A_49 : memref<1x8x512xf32, #tpu.memory_space<hbm>> -> memref<8x512xf32, #tpu.memory_space<hbm>>
      %dma_start3A_51 = arith.constant 0 : i32
      %dma_start3A_52 = arith.constant 0 : i32
      %dma_start3A_53 = tpu.memref_slice %arg7[%scan3A_36, %dma_start3A_51, %dma_start3A_52] : memref<26x8x512xf32, #tpu.memory_space<vmem>> -> memref<1x8x512xf32, #tpu.memory_space<vmem>>
      %dma_start3A_54 = tpu.memref_squeeze %dma_start3A_53 : memref<1x8x512xf32, #tpu.memory_space<vmem>> -> memref<8x512xf32, #tpu.memory_space<vmem>>
      tpu.enqueue_dma source(%dma_start3A_54 : memref<8x512xf32, #tpu.memory_space<vmem>>) target(%dma_start3A_50 : memref<8x512xf32, #tpu.memory_space<hbm>>) target_semaphore(%arg9 : memref<!tpu.dma_semaphore, #tpu.memory_space<semaphore_mem>>)
      %scan3A_55 = arith.constant 0 : i32
      scf.yield %scan3A_55 : i32
    }
    %scan3A_29 = arith.constant 26 : i32
    %dma_wait3A_30 = arith.constant 0 : i32
    %dma_wait3A_31 = arith.constant 0 : i32
    %dma_wait3A_32 = tpu.memref_slice %arg4[%dma_wait3A_30, %dma_wait3A_31, %mul3A_2] : memref<26x8x16384xf32, #tpu.memory_space<hbm>> -> memref<26x8x512xf32, #tpu.memory_space<hbm>>
    %dma_wait3A_33 = arith.constant 0 : i32
    %dma_wait3A_34 = arith.constant 0 : i32
    %dma_wait3A_35 = tpu.memref_slice %arg4[%dma_wait3A_33, %dma_wait3A_34, %mul3A_2] : memref<26x8x16384xf32, #tpu.memory_space<hbm>> -> memref<26x8x512xf32, #tpu.memory_space<hbm>>
    tpu.wait_dma2 semaphore(%arg9 : memref<!tpu.dma_semaphore, #tpu.memory_space<semaphore_mem>>) src(%dma_wait3A_35 : memref<26x8x512xf32, #tpu.memory_space<hbm>>) dst(%arg7 : memref<26x8x512xf32, #tpu.memory_space<vmem>>)
    return
  }
}

</mosaic_0001>

<sc_bundles>
// kernel: kernel.3.cloned.1.call-start
scs
__scs_entry_jumppad:
0x0: {  	(pc) =	sbr.rel $0x88, $3  }
0x1: {  	(tag) =	ssettag $0x0;
	lr =	simm.s32 $0x1  }
0x2: {  	[smem:$0x3F9F] =	sst lr;
	_ =	strace $0xD0000000  }
0x3: {  	_ = 	snop  }
0x4: {  	_ = 	snop  }
0x5: {  	_ = 	snop  }
0x6: {  	_ = 	snop  }
0x7: {  	_ = 	snop  }
__scs_overlays_trampoline_lowered:
0x8: {  	[smem:$0x3FAE] =	sst s0  }
0x9: {  	[smem:$0x3FAF] =	sst s1  }
0xa: {  	[smem:$0x3FB0] =	sst s2  }
0xb: {  	[smem:$0x3FB1] =	sst s3  }
0xc: {  	[smem:$0x3FB2] =	sst s4  }
0xd: {  	[smem:$0x3FB3] =	sst s5  }
0xe: {  	[smem:$0x3FB4] =	sst s6  }
0xf: {  	[smem:$0x3FB5] =	sst s7  }
0x10: {  	[smem:$0x3FB6] =	sst s8  }
0x11: {  	[smem:$0x3FB7] =	sst s9;
	s0 =	simm.s32 @!p0 $0x0  }
0x12: {  	s1 =	sld [smem:$0x3F9D];
	s0 =	simm.s32 @p0 $0x1  }
0x13: {  	[smem:$0x3FB8] =	sst s0;
	s0 =	simm.s32 @!p1 $0x0  }
0x14: {  	s2 =	sld [smem:$0x3F9C];
	s0 =	simm.s32 @p1 $0x1  }
0x15: {  	[smem:$0x3FB9] =	sst s0;
	s0 =	simm.s32 @!p2 $0x0  }
0x16: {  	s3 =	sld [smem:$0x3FDB];
	s0 =	simm.s32 @p2 $0x1  }
0x17: {  	s4 =	simm.s32 $0x1BF5;
	[smem:$0x3FBB] =	sst s0  }
0x18: {  	s0 =	sld [smem:$0x3F9E];
	_ =	swait.ge [sflag:s4], $0x0  }
0x19: {  	s7 =	sld [smem:$0x3F9F]  }
0x1a: {  	s8 =	sadd.s32 $0xFFFFE003, lr  }
0x1b: {  	s9 =	sadd.s32 $0xFFFFFEF7, lr;
	s5 =	simm.s32 $0xFFFFFFFF;
	p2 =	slt.u32 s8, $0xFFFFF086  }
0x1c: {  	p1 =	slt.u32 s9, $0xF7A;
	s5 =	simm.s32 @!p2 $0x0  }
0x1d: {  	s5 =	simm.s32 @p1 $0x1;
	p0 =	seq.s32 s7, s2  }
0x1e: {  	s7 =	smul.u32 @!p0 $0xF7A, s2;
	p2 =	seq.s32 @!p0 s5, $0x0  }
0x1f: {  	s9 =	smul.u32 $0xF7A, s1;
	s8 =	simm.s32 @!p0 $0x1BF5;
	p2 =	por !p2, p0  }
0x20: {  	[sflag:s8] =	ssyncset.s32 @!p0 $0xFFFFF086;
	s6 =	sadd.s32 @!p0 s3, s7;
	s7 =	simm.s32 @!p0 $0x108  }
0x21: {  	s3 =	sadd.s32 s3, s9;
	s6 =	sadd.s32 @!p0 $0x88, s6;
	s7 =	simm.s32 @p2 $0x1082  }
0x22: {  	[simem:s7], [sflag:s8] =	dma.local @!p0 [hbm:s6], $0xF7A  }
0x23: {  	s9 =	sor.u32 $0xD0000000, s2;
	s6 =	simm.s32 $0x108;
	_ =	swait.ge @!p0 [sflag:s8], $0x0  }
0x24: {  	s3 =	sadd.s32 $0x88, s3;
	s6 =	simm.s32 @!p1 $0x1082;
	[sflag:s4] =	ssyncset.s32 $0xFFFFF086  }
0x25: {  	[simem:s6], [sflag:s4] =	dma.local [hbm:s3], $0xF7A  }
0x26: {  	[smem:$0x3F9F] =	sst s1;
	(tag) =	ssettag s2;
	_ =	strace s9  }
0x27: {  	s1 =	sld [smem:$0x3FAF]  }
0x28: {  	s2 =	sld [smem:$0x3FB0]  }
0x29: {  	s4 =	sld [smem:$0x3FB2]  }
0x2a: {  	p0 =	seq.s32 s5, $0x0;
	s5 =	sld [smem:$0x3FB3]  }
0x2b: {  	s6 =	sld [smem:$0x3FB4]  }
0x2c: {  	s7 =	sld [smem:$0x3FB5]  }
0x2d: {  	s3 =	simm.s32 $0x108;
	s8 =	sld [smem:$0x3FB6]  }
0x2e: {  	s3 =	simm.s32 @!p0 $0x1082;
	s9 =	sld [smem:$0x3FB7]  }
0x2f: {  	lr =	sadd.s32 s0, s3;
	s0 =	sld [smem:$0x3FAE]  }
0x30: {  	s3 =	sld [smem:$0x3FB1]  }
0x31: {  	[smem:$0x3FBA] =	sst s10  }
0x32: {  	s10 =	sld [smem:$0x3FB8];
	_ =	sdelay $0x3  }
0x33: {  	p0 =	seq.s32 s10, $0x1;
	s10 =	sld [smem:$0x3FBA];
	_ =	sdelay $0x3  }
0x34: {  	[smem:$0x3FBA] =	sst s10  }
0x35: {  	s10 =	sld [smem:$0x3FB9];
	_ =	sdelay $0x3  }
0x36: {  	p1 =	seq.s32 s10, $0x1;
	s10 =	sld [smem:$0x3FBA];
	_ =	sdelay $0x3  }
0x37: {  	[smem:$0x3FBA] =	sst s10  }
0x38: {  	s10 =	sld [smem:$0x3FBB]  }
0x39: {  	_ = 	snop;
	(pc) =	sbr.ind lr, $3  }
0x3a: {  	_ = 	snop  }
0x3b: {  	_ = 	snop  }
0x3c: {  	p2 =	seq.s32 s10, $0x1;
	s10 =	sld [smem:$0x3FBA]  }
0x3d: {  	_ =	shalt  }
0x3e: {  	_ =	shalt  }
0x3f: {  	_ =	shalt  }
0x40: {  	_ =	shalt  }
0x41: {  	_ =	shalt  }
0x42: {  	_ =	shalt  }
0x43: {  	_ =	shalt  }
0x44: {  	_ =	shalt  }
0x45: {  	_ =	shalt  }
0x46: {  	_ =	shalt  }
0x47: {  	_ =	shalt  }
0x48: {  	_ =	shalt  }
0x49: {  	_ =	shalt  }
0x4a: {  	_ =	shalt  }
0x4b: {  	_ =	shalt  }
0x4c: {  	_ =	shalt  }
0x4d: {  	_ =	shalt  }
0x4e: {  	_ =	shalt  }
0x4f: {  	_ =	shalt  }
0x50: {  	_ =	shalt  }
0x51: {  	_ =	shalt  }
0x52: {  	_ =	shalt  }
0x53: {  	_ =	shalt  }
0x54: {  	_ =	shalt  }
0x55: {  	_ =	shalt  }
0x56: {  	_ =	shalt  }
0x57: {  	_ =	shalt  }
0x58: {  	_ =	shalt  }
0x59: {  	_ =	shalt  }
0x5a: {  	_ =	shalt  }
0x5b: {  	_ =	shalt  }
0x5c: {  	_ =	shalt  }
0x5d: {  	_ =	shalt  }
0x5e: {  	_ =	shalt  }
0x5f: {  	_ =	shalt  }
0x60: {  	_ =	shalt  }
0x61: {  	_ =	shalt  }
0x62: {  	_ =	shalt  }
0x63: {  	_ =	shalt  }
0x64: {  	_ =	shalt  }
0x65: {  	_ =	shalt  }
0x66: {  	_ =	shalt  }
0x67: {  	_ =	shalt  }
0x68: {  	_ =	shalt  }
0x69: {  	_ =	shalt  }
0x6a: {  	_ =	shalt  }
0x6b: {  	_ =	shalt  }
0x6c: {  	_ =	shalt  }
0x6d: {  	_ =	shalt  }
0x6e: {  	_ =	shalt  }
0x6f: {  	_ =	shalt  }
0x70: {  	_ =	shalt  }
0x71: {  	_ =	shalt  }
0x72: {  	_ =	shalt  }
0x73: {  	_ =	shalt  }
0x74: {  	_ =	shalt  }
0x75: {  	_ =	shalt  }
0x76: {  	_ =	shalt  }
0x77: {  	_ =	shalt  }
0x78: {  	_ =	shalt  }
0x79: {  	_ =	shalt  }
0x7a: {  	_ =	shalt  }
0x7b: {  	_ =	shalt  }
0x7c: {  	_ =	shalt  }
0x7d: {  	_ =	shalt  }
0x7e: {  	_ =	shalt  }
0x7f: {  	_ =	shalt  }
0x80: {  	_ =	shalt  }
0x81: {  	_ =	shalt  }
0x82: {  	_ =	shalt  }
0x83: {  	_ =	shalt  }
0x84: {  	_ =	shalt  }
0x85: {  	_ =	shalt  }
0x86: {  	_ =	shalt  }
0x87: {  	_ =	shalt  }
.Lfunc_end0:
.L_simem_size_0:
called_computation_lowered:
.L_overlay_start_0:
0x88: {  	s2 =	sld [smem:$0x3FD9]  }
0x89: {  	s3 =	sld [smem:$0x3FFE];
	_ =	sdelay $0x1  }
0x8a: {  	s1 =	srdreg.scid  }
0x8b: {  	s0 =	sand.u32 $0x1, s1  }
0x8c: {  	s18 =	sshll.u32 s0, $0xA;
	s2 =	sadd.s32 s3, s2  }
0x8d: {  	s2 =	sadd.s32 s2, s18  }
0x8e: {  	[smem:$0x3FC6] =	sst s2  }
0x8f: {  	_ = 	snop  }
0x90: {  	s2 =	sld [smem:$0x3FC9]  }
0x91: {  	s19 =	sld [smem:$0x3FC8]  }
0x92: {  	s4 =	sld [smem:$0x3FD0];
	(tm) =	ssettm $0x1  }
0x93: {  	s5 =	sld [smem:$0x3FFB];
	_ =	sdelay $0x3  }
0x94: {  	_ =	strace s5  }
0x95: {  	s5 =	sld [smem:$0x3FFC];
	_ =	sdelay $0x3  }
0x96: {  	_ =	strace s5  }
0x97: {  	s5 =	sld [smem:$0x3FFD];
	_ =	sdelay $0x3  }
0x98: {  	_ =	strace s5  }
0x99: {  	_ =	strace $0x8FFFFFFF  }
0x9a: {  	s20 =	sld [smem:$0x3FDB];
	_ =	sdelay $0x1  }
0x9b: {  	s6 =	simm.s32 $_scs_section_size  }
0x9c: {  	s7 =	simm.s32 $_size__tile_overlayer_lowered;
	s8 =	simm.s32 $_tile_overlayer_lowered  }
0x9d: {  	s23 =	simm.s32 $0x1BFF;
	s22 =	sshll.u32 s8, $0x1;
	s5 =	sadd.s32 s6, s20  }
0x9e: {  	s9 =	simm.s32 $0x0;
	s21 =	sshll.u32 s7, $0x1;
	s7 =	sadd.s32 s22, s5  }
0x9f: {  	[timem:s9], [sflag:s23] =	dma.local [hbm:s7], s21  }
0xa0: {  	_ =	swait.ge [sflag:s23], s21  }
0xa1: {  	s6 =	ssub.s32 $0x0, s21;
	[sflag:s23] =	ssyncset.done $0x0  }
0xa2: {  	[sflag:s23] =	ssyncadd.s32 s6;
	_ =	sdelay $0x1  }
0xa3: {  	s24 =	simm.s32 $0x1B8B  }
0xa4: {  	_ =	swait.ge [sflag:s24], $0x1  }
0xa5: {  	[sflag:s24] =	ssyncset.done $0x0  }
0xa6: {  	s25 =	simm.s32 $0x1B8E;
	[sflag:s24] =	ssyncadd.s32 $0xFFFFFFFF  }
0xa7: {  	s26 =	simm.s32 $execute0_lowered;
	[smem:$0x3FD2] =	sst s25  }
0xa8: {  	s6 =	sshll.u32 s26, $0x1;
	_ =	strace $0x80000046;
	[dreg:$0x1] =	wrdreg $0xFFFFFFFF  }
0xa9: {  	s28 =	simm.s32 $_size_execute0_lowered;
	s5 =	sadd.s32 s5, s6;
	[dreg:$0x0] =	wrdreg $0x0  }
0xaa: {  	s6 =	sshll.u32 s28, $0x1;
	[dreg:$0x2] =	wrdreg s5  }
0xab: {  	[dreg:$0x3] =	wrdreg s6  }
0xac: {  	[dreg:$0x4] =	wrdreg $0xC0  }
0xad: {  	_ =	task [dreg:s9], $0x5FFFF  }
0xae: {  	[dreg:$0x1] =	wrdreg $0xFFFFFFFF  }
0xaf: {  	[dreg:$0x0] =	wrdreg $0x60  }
0xb0: {  	[dreg:$0x2] =	wrdreg s2  }
0xb1: {  	[dreg:$0x3] =	wrdreg s19  }
0xb2: {  	[dreg:$0x4] =	wrdreg s4  }
0xb3: {  	[dreg:$0x5] =	wrdreg $0x9  }
0xb4: {  	_ =	task.clear_ibuf [dreg:s9], $0x6FFFF;
	_ =	strace $0x90000046  }
0xb5: {  	s29 =	simm.s32 $0x9;
	_ =	strace $0x80000048  }
0xb6: {  	_ =	swait.ge [sflag:s29], $0x1  }
0xb7: {  	[sflag:s29] =	ssyncadd.s32 $0xFFFFFFFF  }
0xb8: {  	_ =	strace $0x90000048  }
0xb9: {  	_ =	sfence  }
0xba: {  	s30 =	sld [smem:$0x0];
	_ =	sdelay $0x2  }
0xbb: {  	s31 =	sshll.u32 s1, $0xD;
	s1 =	sshrl.u32 s1, $0x2  }
0xbc: {  	s3 =	sand.u32 $0x4000, s31;
	s1 =	sadd.s32 s1, s30  }
0xbd: {  	s0 =	sor.u32 s3, s0;
	s1 =	sshll.u32 s1, $0x11  }
0xbe: {  	s0 =	sor.u32 s1, s0  }
0xbf: {  	s0 =	sadd.s32 $0x8F2B, s0  }
0xc0: {  	[sflag:s0] =	ssyncadd.remote.s32 $0x1  }
0xc1: {  	_ =	sfence.sel $0xFFFF  }
0xc2: {  	[dreg:$0x0] =	wrdreg $0xFFFFFFFF;
	(pc) =	sbr.abs _section_cstart, $3  }
0xc3: {  	[dreg:$0x1] =	wrdreg $0xFFFFFFFF  }
0xc4: {  	_ =	task.clear_ibuf [dreg:s9], $0x2FFFF;
	_ =	strace $0x9FFFFFFF  }
0xc5: {  	(tm) =	ssettm $0x7FFFFFFF  }
tec
execute0_lowered:
.L_overlay_start_1:
0x0: {  	(tag) =	ssettag $0x1  }
0x1: {  	s6 =	rddreg [dreg:$0x0]  }
0x2: {  	s1 =	rddreg [dreg:$0x1]  }
0x3: {  	s3 =	rddreg [dreg:$0x2]  }
0x4: {  	s0 =	rddreg [dreg:$0x3];
	s5 =	srdreg.scid  }
0x5: {  	s4 =	simm.s32 $0x0;
	s2 =	stileid.u32;
	s10 =	simm.s32 $0x2000  }
0x6: {  	s11 =	simm.s32 $0x1;
	s12 =	simm.s32 $0x6000;
	s13 =	simm.s32 $0x2  }
0x7: {  	s14 =	simm.s32 $0x0;
	s5 =	sand.u32 $0x1, s5;
	s8 =	sshll.u32 s2, $0xD  }
0x8: {  	[smem:$0x7FF] =	sst s4;
	s7 =	ssub.s32 $0x2, s5;
	s5 =	sshll.u32 s5, $0xC  }
0x9: {  	_ =	strace $0x80000047;
	s9 =	sshrl.u32 s7, $0x1;
	s5 =	sor.u32 s5, s8  }
0xa: {  	s7 =	ssub.s32 s7, s9;
	s8 =	sshrl.u32 s5, $0x3;
	s9 =	simm.s32 $0x20000  }
0xb: {  	v0 =	vlaneseq.u32;
	s6 =	sadd.s32 s6, s8;
	s7 =	smax.u32 s7, $0x1;
	s8 =	simm.s32 $0x1000  }
.LBB2_1:
0xc: {  	[tilespmem:s4], [sflag:$0x1] =	stream.linear.gather [hbm4b:s1+s4], $0x2000, $0x38;
	v63 =	vld [tilespmem:$0x0]  }
0xd: {  	_ = 	snop  }
0xe: {  	[tilespmem:s10], [sflag:$0x1] =	stream.strided.gather [hbm4b:s6+s8], $0x4000, s9, s8, $0x38;
	v63 =	vld [tilespmem:$0x0]  }
0xf: {  	_ =	swait.ge [sflag:s11], $0x2000  }
0x10: {  	[sflag:s11] =	ssyncset.done $0x0  }
0x11: {  	[sflag:s11] =	ssyncadd.s32 $0xFFFFE000  }
0x12: {  	_ =	swait.ge [sflag:s11], $0x4000  }
0x13: {  	[sflag:s11] =	ssyncset.done $0x0  }
0x14: {  	s15 =	simm.s32 $0x0;
	[sflag:s11] =	ssyncadd.s32 $0xFFFFC000  }
.LBB2_2:
0x15: {  	v2 =	vmov s15;
	s16 =	simm.s32 $0x10  }
0x16: {  	v1 =	vshll.u32 v2, $0x9;
	v3 =	vshll.u32 v2, $0x7;
	v4 =	vmov s16  }
0x17: {  	v1 =	vand.u32 $0x3000, v1;
	v3 =	vand.u32 $0x380, v3;
	v4 =	vshll.u32 v4, $0x3  }
0x18: {  	s17 =	simm.s32 $0x20;
	v1 =	vor.u32 v1, v3;
	v3 =	vor.u32 s16, v0;
	v5 =	vand.u32 $0xC00, v4  }
0x19: {  	v6 =	vmov s17;
	v3 =	vand.u32 $0x5F, v3;
	v4 =	vor.u32 v5, v1  }
0x1a: {  	v6 =	vshll.u32 v6, $0x3;
	v4 =	vor.u32 v3, v4  }
0x1b: {  	v7 =	vor.u32 s17, v0;
	v8 =	vand.u32 $0xC00, v6  }
0x1c: {  	v9 =	vand.u32 $0x6F, v7;
	v6 =	vor.u32 v8, v1  }
0x1d: {  	s22 =	simm.s32 $0x0;
	v6 =	vor.u32 v9, v6  }
0x1e: {  	v7 =	vmov s22  }
0x1f: {  	v7 =	vshll.u32 v7, $0x3;
	v4 =	vld.idx.msk [tilespmem:v4+s10+$0x0], $0xffff  }
0x20: {  	v10 =	vor.u32 s22, v0;
	v11 =	vand.u32 $0xC00, v7  }
0x21: {  	v10 =	vand.u32 $0x4F, v10;
	v7 =	vor.u32 v11, v1  }
0x22: {  	v7 =	vor.u32 v10, v7;
	v6 =	vld.idx.msk [tilespmem:v6+s10+$0x0], $0xffff;
	_ =	sdelay $0x1  }
0x23: {  	v12 =	vshll.u32 v4, $0x3  }
0x24: {  	v4 =	vand.u32 $0x7F, v4;
	v12 =	vand.u32 $0xFFFFFC00, v12  }
0x25: {  	v4 =	vor.u32 v4, v12  }
0x26: {  	v12 =	vld.idx.msk [tilespmem:v7+s10+$0x0], $0xffff;
	v7 =	vshll.u32 v6, $0x3  }
0x27: {  	v6 =	vand.u32 $0x7F, v6;
	v7 =	vand.u32 $0xFFFFFC00, v7  }
0x28: {  	v2 =	vshll.u32 v2, $0xC;
	v6 =	vor.u32 v6, v7  }
0x29: {  	v5 =	vor.u32 v2, v5  }
0x2a: {  	v7 =	vor.u32 v3, v5;
	v3 =	vld.idx.msk [tilespmem:v4+s4+$0x0], $0xffff  }
0x2b: {  	v13 =	vor.u32 $0x80, v4;
	v5 =	vshll.u32 v12, $0x3  }
0x2c: {  	v8 =	vor.u32 v2, v8;
	v12 =	vand.u32 $0x7F, v12;
	v5 =	vand.u32 $0xFFFFFC00, v5  }
0x2d: {  	s23 =	simm.s32 $0x30;
	v8 =	vor.u32 v9, v8;
	v9 =	vor.u32 v12, v5;
	v5 =	vld.idx.msk [tilespmem:v6+s4+$0x0], $0xffff  }
0x2e: {  	s24 =	simm.s32 $0x50;
	v18 =	vmov s23;
	v14 =	vor.u32 $0x80, v6  }
0x2f: {  	v16 =	vor.u32 s23, v0;
	v25 =	vmov s24;
	v18 =	vshll.u32 v18, $0x3;
	[tilespmem:v7+s12+$0x0] =	vst.idx.msk $0xffff, v3  }
0x30: {  	s18 =	simm.s32 $0x60;
	v26 =	vor.u32 s24, v0;
	v18 =	vand.u32 $0xC00, v18;
	v15 =	vor.u32 $0x80, v7;
	v13 =	vld.idx.msk [tilespmem:v13+s4+$0x0], $0xffff  }
0x31: {  	v27 =	vmov s18;
	v24 =	vor.u32 v18, v1;
	v11 =	vor.u32 v2, v11  }
0x32: {  	v17 =	vand.u32 $0x7F, v16;
	v10 =	vor.u32 v10, v11;
	v11 =	vor.u32 $0x100, v4;
	v19 =	vld.idx.msk [tilespmem:v9+s4+$0x0], $0xffff;
	[tilespmem:v8+s12+$0x0] =	vst.idx.msk $0xffff, v5  }
0x33: {  	v20 =	vor.u32 $0x80, v8;
	v23 =	vor.u32 $0x100, v8;
	v16 =	vor.u32 $0x80, v9;
	v14 =	vld.idx.msk [tilespmem:v14+s4+$0x0], $0xffff  }
0x34: {  	v22 =	vor.u32 $0x180, v4;
	v21 =	vor.u32 $0x100, v6;
	v12 =	vor.u32 $0x100, v7  }
0x35: {  	s25 =	simm.s32 $0x40;
	v3 =	vor.u32 $0x100, v9;
	[tilespmem:v15+s12+$0x0] =	vst.idx.msk $0xffff, v13;
	v15 =	vor.u32 v17, v24;
	v24 =	vshll.u32 v25, $0x3  }
0x36: {  	v5 =	vor.u32 $0x80, v10;
	v13 =	vmov s25;
	v24 =	vand.u32 $0xC00, v24  }
0x37: {  	v25 =	vor.u32 s25, v0;
	v11 =	vld.idx.msk [tilespmem:v11+s4+$0x0], $0xffff;
	[tilespmem:v10+s12+$0x0] =	vst.idx.msk $0xffff, v19;
	v19 =	vand.u32 $0x5F, v26;
	v26 =	vor.u32 v24, v1  }
0x38: {  	v13 =	vshll.u32 v13, $0x3;
	v16 =	vld.idx.msk [tilespmem:v16+s4+$0x0], $0xffff;
	[tilespmem:v20+s12+$0x0] =	vst.idx.msk $0xffff, v14;
	v20 =	vshll.u32 v27, $0x3;
	v14 =	vor.u32 v19, v26  }
0x39: {  	v26 =	vand.u32 $0xC00, v13;
	v13 =	vld.idx.msk [tilespmem:v21+s4+$0x0], $0xffff;
	v21 =	vor.u32 s18, v0;
	v20 =	vand.u32 $0xC00, v20  }
0x3a: {  	v25 =	vand.u32 $0x4F, v25;
	v21 =	vand.u32 $0x6F, v21;
	v28 =	vor.u32 v20, v1  }
0x3b: {  	v27 =	vor.u32 $0x180, v6;
	v24 =	vor.u32 v2, v24;
	v28 =	vor.u32 v21, v28  }
0x3c: {  	s26 =	simm.s32 $0x70;
	v29 =	vld.idx.msk [tilespmem:v15+s10+$0x0], $0xffff;
	v15 =	vor.u32 v19, v24;
	[tilespmem:v12+s12+$0x0] =	vst.idx.msk $0xffff, v11;
	v11 =	vor.u32 v26, v1  }
0x3d: {  	v40 =	vor.u32 s26, v0;
	v19 =	vld.idx.msk [tilespmem:v22+s4+$0x0], $0xffff;
	[tilespmem:v5+s12+$0x0] =	vst.idx.msk $0xffff, v16;
	v5 =	vor.u32 $0x180, v7;
	v24 =	vor.u32 v25, v11  }
0x3e: {  	s28 =	simm.s32 $0x90;
	s29 =	simm.s32 $0x80;
	v47 =	vmov s26;
	v11 =	vor.u32 v2, v20;
	v20 =	vor.u32 $0x200, v4;
	v22 =	vld.idx.msk [tilespmem:v14+s10+$0x0], $0xffff  }
0x3f: {  	v51 =	vmov s28;
	v53 =	vmov s29;
	v3 =	vld.idx.msk [tilespmem:v3+s4+$0x0], $0xffff;
	[tilespmem:v23+s12+$0x0] =	vst.idx.msk $0xffff, v13;
	v13 =	vor.u32 $0x100, v10  }
0x40: {  	v16 =	vor.u32 v21, v11;
	v23 =	vor.u32 $0x180, v9;
	v21 =	vld.idx.msk [tilespmem:v27+s4+$0x0], $0xffff;
	v27 =	vor.u32 $0x180, v8  }
0x41: {  	v56 =	vor.u32 s29, v0;
	v30 =	vor.u32 $0x200, v6;
	v14 =	vshll.u32 v29, $0x3;
	v28 =	vld.idx.msk [tilespmem:v28+s10+$0x0], $0xffff  }
0x42: {  	v18 =	vor.u32 v2, v18;
	v29 =	vand.u32 $0x7F, v29;
	v14 =	vand.u32 $0xFFFFFC00, v14;
	[tilespmem:v5+s12+$0x0] =	vst.idx.msk $0xffff, v19;
	v19 =	vld.idx.msk [tilespmem:v24+s10+$0x0], $0xffff  }
0x43: {  	v14 =	vor.u32 v29, v14;
	v5 =	vor.u32 $0x200, v7;
	v24 =	vshll.u32 v22, $0x3;
	v29 =	vld.idx.msk [tilespmem:v20+s4+$0x0], $0xffff  }
0x44: {  	v20 =	vand.u32 $0x7F, v22;
	[tilespmem:v13+s12+$0x0] =	vst.idx.msk $0xffff, v3;
	v3 =	vor.u32 $0x280, v4;
	v22 =	vand.u32 $0xFFFFFC00, v24  }
0x45: {  	v31 =	vor.u32 $0x200, v8;
	v13 =	vor.u32 $0x180, v10;
	v23 =	vld.idx.msk [tilespmem:v23+s4+$0x0], $0xffff;
	[tilespmem:v27+s12+$0x0] =	vst.idx.msk $0xffff, v21;
	v20 =	vor.u32 v20, v22  }
0x46: {  	v24 =	vor.u32 $0x280, v6;
	v27 =	vor.u32 $0x200, v9;
	v21 =	vshll.u32 v28, $0x3;
	v30 =	vld.idx.msk [tilespmem:v30+s4+$0x0], $0xffff  }
0x47: {  	v22 =	vand.u32 $0x7F, v28;
	v28 =	vand.u32 $0xFFFFFC00, v21;
	v21 =	vor.u32 v17, v18  }
0x48: {  	v32 =	vor.u32 $0x280, v7;
	v22 =	vor.u32 v22, v28;
	v17 =	vshll.u32 v19, $0x3;
	v18 =	vld.idx.msk [tilespmem:v14+s4+$0x0], $0xffff;
	[tilespmem:v5+s12+$0x0] =	vst.idx.msk $0xffff, v29  }
0x49: {  	v28 =	vor.u32 $0x80, v14;
	v5 =	vand.u32 $0x7F, v19;
	v17 =	vand.u32 $0xFFFFFC00, v17;
	v19 =	vld.idx.msk [tilespmem:v3+s4+$0x0], $0xffff  }
0x4a: {  	v48 =	vshll.u32 v47, $0x3;
	v39 =	vor.u32 $0x280, v10;
	v3 =	vor.u32 v5, v17;
	[tilespmem:v13+s12+$0x0] =	vst.idx.msk $0xffff, v23;
	v33 =	vld.idx.msk [tilespmem:v20+s4+$0x0], $0xffff  }
0x4b: {  	v44 =	vor.u32 $0x380, v10;
	v62 =	vor.u32 $0x380, v4;
	v23 =	vor.u32 $0x300, v4;
	v27 =	vld.idx.msk [tilespmem:v27+s4+$0x0], $0xffff;
	[tilespmem:v31+s12+$0x0] =	vst.idx.msk $0xffff, v30  }
0x4c: {  	v36 =	vor.u32 $0x300, v6;
	v34 =	vor.u32 $0x80, v20;
	v30 =	vor.u32 $0x200, v10;
	v24 =	vld.idx.msk [tilespmem:v24+s4+$0x0], $0xffff  }
0x4d: {  	v12 =	vor.u32 $0x280, v9;
	v57 =	vor.u32 $0x180, v15;
	v31 =	vor.u32 $0x280, v8;
	[tilespmem:v21+s12+$0x0] =	vst.idx.msk $0xffff, v18;
	v18 =	vld.idx.msk [tilespmem:v22+s4+$0x0], $0xffff  }
0x4e: {  	v11 =	vor.u32 $0x100, v15;
	v43 =	vor.u32 $0x100, v16;
	v37 =	vor.u32 $0x100, v14;
	[tilespmem:v32+s12+$0x0] =	vst.idx.msk $0xffff, v19;
	v19 =	vld.idx.msk [tilespmem:v28+s4+$0x0], $0xffff  }
0x4f: {  	v42 =	vor.u32 $0x180, v14;
	v35 =	vor.u32 $0x80, v21;
	v38 =	vor.u32 $0x80, v22;
	v41 =	vld.idx.msk [tilespmem:v3+s4+$0x0], $0xffff  }
0x50: {  	v58 =	vor.u32 $0x200, v14;
	v13 =	vor.u32 $0x380, v7;
	v7 =	vor.u32 $0x300, v7;
	v23 =	vld.idx.msk [tilespmem:v23+s4+$0x0], $0xffff;
	[tilespmem:v15+s12+$0x0] =	vst.idx.msk $0xffff, v33  }
0x51: {  	v6 =	vor.u32 $0x380, v6;
	v4 =	vor.u32 v2, v26;
	v26 =	vor.u32 $0x80, v15;
	[tilespmem:v30+s12+$0x0] =	vst.idx.msk $0xffff, v27;
	v34 =	vld.idx.msk [tilespmem:v34+s4+$0x0], $0xffff  }
0x52: {  	v49 =	vor.u32 $0x180, v21;
	v4 =	vor.u32 v25, v4;
	[tilespmem:v31+s12+$0x0] =	vst.idx.msk $0xffff, v24;
	v24 =	vor.u32 $0x100, v20;
	v55 =	vld.idx.msk [tilespmem:v12+s4+$0x0], $0xffff  }
0x53: {  	v17 =	vor.u32 $0x380, v8;
	v8 =	vor.u32 $0x300, v8;
	v31 =	vor.u32 $0x80, v3;
	[tilespmem:v16+s12+$0x0] =	vst.idx.msk $0xffff, v18;
	v18 =	vld.idx.msk [tilespmem:v36+s4+$0x0], $0xffff  }
0x54: {  	v59 =	vor.u32 $0x200, v21;
	v38 =	vld.idx.msk [tilespmem:v38+s4+$0x0], $0xffff;
	[tilespmem:v35+s12+$0x0] =	vst.idx.msk $0xffff, v19;
	v19 =	vor.u32 $0x80, v16;
	v35 =	vand.u32 $0xC00, v48  }
0x55: {  	v50 =	vor.u32 $0x100, v22;
	v25 =	vand.u32 $0x7F, v40;
	[tilespmem:v7+s12+$0x0] =	vst.idx.msk $0xffff, v23;
	v7 =	vld.idx.msk [tilespmem:v37+s4+$0x0], $0xffff;
	v23 =	vor.u32 v35, v1  }
0x56: {  	v29 =	vor.u32 $0x100, v21;
	v5 =	vor.u32 $0x280, v3;
	v32 =	vld.idx.msk [tilespmem:v62+s4+$0x0], $0xffff;
	[tilespmem:v26+s12+$0x0] =	vst.idx.msk $0xffff, v34;
	v52 =	vor.u32 v25, v23  }
0x57: {  	v45 =	vor.u32 $0x100, v3;
	v46 =	vor.u32 $0x80, v4;
	[tilespmem:v4+s12+$0x0] =	vst.idx.msk $0xffff, v41;
	v23 =	vshll.u32 v51, $0x3;
	v24 =	vld.idx.msk [tilespmem:v24+s4+$0x0], $0xffff  }
0x58: {  	s30 =	simm.s32 $0xA0;
	v28 =	vor.u32 $0x300, v9;
	v26 =	vor.u32 $0x180, v20;
	v31 =	vld.idx.msk [tilespmem:v31+s4+$0x0], $0xffff;
	[tilespmem:v8+s12+$0x0] =	vst.idx.msk $0xffff, v18;
	v18 =	vand.u32 $0xC00, v23  }
0x59: {  	v30 =	vmov s30;
	v8 =	vor.u32 s28, v0;
	v12 =	vor.u32 v2, v18;
	[tilespmem:v19+s12+$0x0] =	vst.idx.msk $0xffff, v38;
	v19 =	vld.idx.msk [tilespmem:v6+s4+$0x0], $0xffff  }
0x5a: {  	v6 =	vand.u32 $0x5F, v8;
	v8 =	vor.u32 v18, v1;
	v18 =	vshll.u32 v30, $0x3;
	v27 =	vld.idx.msk [tilespmem:v50+s4+$0x0], $0xffff  }
0x5b: {  	v8 =	vor.u32 v6, v8;
	[tilespmem:v29+s12+$0x0] =	vst.idx.msk $0xffff, v7;
	v7 =	vor.u32 s30, v0;
	v18 =	vand.u32 $0xC00, v18;
	v29 =	vld.idx.msk [tilespmem:v52+s10+$0x0], $0xffff  }
0x5c: {  	v30 =	vor.u32 $0x180, v22;
	v7 =	vand.u32 $0x6F, v7;
	[tilespmem:v11+s12+$0x0] =	vst.idx.msk $0xffff, v24;
	v11 =	vld.idx.msk [tilespmem:v42+s4+$0x0], $0xffff;
	v24 =	vor.u32 v18, v1  }
0x5d: {  	v61 =	vor.u32 $0x180, v3;
	[tilespmem:v39+s12+$0x0] =	vst.idx.msk $0xffff, v55;
	v23 =	vshll.u32 v53, $0x3;
	v26 =	vld.idx.msk [tilespmem:v26+s4+$0x0], $0xffff;
	v24 =	vor.u32 v7, v24  }
0x5e: {  	v60 =	vor.u32 $0x100, v4;
	v48 =	vor.u32 $0x280, v14;
	v28 =	vld.idx.msk [tilespmem:v28+s4+$0x0], $0xffff;
	v23 =	vand.u32 $0xC00, v23;
	[tilespmem:v46+s12+$0x0] =	vst.idx.msk $0xffff, v31  }
0x5f: {  	v54 =	vor.u32 v23, v1;
	v6 =	vor.u32 v6, v12;
	v31 =	vor.u32 $0x200, v20;
	v33 =	vld.idx.msk [tilespmem:v45+s4+$0x0], $0xffff  }
0x60: {  	v62 =	vor.u32 $0x180, v16;
	v12 =	vor.u32 v2, v18;
	v42 =	vand.u32 $0x4F, v56;
	v18 =	vld.idx.msk [tilespmem:v8+s10+$0x0], $0xffff;
	[tilespmem:v43+s12+$0x0] =	vst.idx.msk $0xffff, v27  }
0x61: {  	v51 =	vor.u32 $0x280, v20;
	v27 =	vor.u32 v42, v54;
	v30 =	vld.idx.msk [tilespmem:v30+s4+$0x0], $0xffff;
	v8 =	vshll.u32 v29, $0x3;
	[tilespmem:v49+s12+$0x0] =	vst.idx.msk $0xffff, v11  }
0x62: {  	v29 =	vand.u32 $0x7F, v29;
	v8 =	vand.u32 $0xFFFFFC00, v8;
	v24 =	vld.idx.msk [tilespmem:v24+s10+$0x0], $0xffff;
	[tilespmem:v57+s12+$0x0] =	vst.idx.msk $0xffff, v26;
	v26 =	vor.u32 $0x200, v22  }
0x63: {  	v53 =	vor.u32 $0x280, v15;
	v11 =	vor.u32 $0x300, v10;
	v8 =	vor.u32 v29, v8;
	v36 =	vld.idx.msk [tilespmem:v58+s4+$0x0], $0xffff  }
0x64: {  	v50 =	vor.u32 $0x200, v16;
	v52 =	vor.u32 $0x280, v22;
	[tilespmem:v60+s12+$0x0] =	vst.idx.msk $0xffff, v33;
	v29 =	vld.idx.msk [tilespmem:v31+s4+$0x0], $0xffff;
	v31 =	vor.u32 $0x380, v9  }
0x65: {  	[tilespmem:v13+s12+$0x0] =	vst.idx.msk $0xffff, v32;
	v32 =	vor.u32 $0x300, v16;
	v49 =	vor.u32 $0x200, v15;
	v37 =	vld.idx.msk [tilespmem:v61+s4+$0x0], $0xffff;
	v9 =	vshll.u32 v18, $0x3  }
0x66: {  	v38 =	vor.u32 $0x80, v6;
	v27 =	vld.idx.msk [tilespmem:v27+s10+$0x0], $0xffff;
	v10 =	vand.u32 $0x7F, v18;
	v9 =	vand.u32 $0xFFFFFC00, v9;
	[tilespmem:v62+s12+$0x0] =	vst.idx.msk $0xffff, v30  }
0x67: {  	v56 =	vor.u32 $0x300, v20;
	[tilespmem:v17+s12+$0x0] =	vst.idx.msk $0xffff, v19;
	v17 =	vor.u32 $0x180, v4;
	v9 =	vor.u32 v10, v9;
	v19 =	vld.idx.msk [tilespmem:v26+s4+$0x0], $0xffff  }
0x68: {  	[tilespmem:v11+s12+$0x0] =	vst.idx.msk $0xffff, v28;
	v11 =	vor.u32 v2, v35;
	v10 =	vshll.u32 v24, $0x3;
	v26 =	vor.u32 $0x200, v3;
	v28 =	vld.idx.msk [tilespmem:v8+s4+$0x0], $0xffff  }
0x69: {  	v18 =	vand.u32 $0x7F, v24;
	[tilespmem:v59+s12+$0x0] =	vst.idx.msk $0xffff, v36;
	v24 =	vand.u32 $0xFFFFFC00, v10;
	v10 =	vor.u32 v25, v11;
	v25 =	vld.idx.msk [tilespmem:v31+s4+$0x0], $0xffff  }
0x6a: {  	v7 =	vor.u32 v7, v12;
	[tilespmem:v49+s12+$0x0] =	vst.idx.msk $0xffff, v29;
	v54 =	vld.idx.msk [tilespmem:v48+s4+$0x0], $0xffff;
	v11 =	vor.u32 v18, v24  }
0x6b: {  	v30 =	vor.u32 $0x280, v21;
	v31 =	vor.u32 $0x80, v8;
	v24 =	vld.idx.msk [tilespmem:v51+s4+$0x0], $0xffff;
	v13 =	vshll.u32 v27, $0x3  }
0x6c: {  	[tilespmem:v17+s12+$0x0] =	vst.idx.msk $0xffff, v37;
	v29 =	vor.u32 $0x300, v14;
	v27 =	vand.u32 $0x7F, v27;
	v13 =	vand.u32 $0xFFFFFC00, v13;
	v55 =	vld.idx.msk [tilespmem:v9+s4+$0x0], $0xffff  }
0x6d: {  	v12 =	vor.u32 $0x100, v6;
	v40 =	vor.u32 $0x80, v7;
	v13 =	vor.u32 v27, v13;
	v27 =	vld.idx.msk [tilespmem:v26+s4+$0x0], $0xffff;
	[tilespmem:v50+s12+$0x0] =	vst.idx.msk $0xffff, v19  }
0x6e: {  	v57 =	vor.u32 $0x300, v21;
	v61 =	vor.u32 $0x280, v16;
	v59 =	vor.u32 $0x200, v4;
	v39 =	vld.idx.msk [tilespmem:v52+s4+$0x0], $0xffff;
	[tilespmem:v10+s12+$0x0] =	vst.idx.msk $0xffff, v28  }
0x6f: {  	v46 =	vor.u32 $0x100, v8;
	v58 =	vor.u32 $0x80, v9;
	v48 =	vor.u32 $0x300, v15;
	[tilespmem:v44+s12+$0x0] =	vst.idx.msk $0xffff, v25;
	v60 =	vld.idx.msk [tilespmem:v11+s4+$0x0], $0xffff  }
0x70: {  	v18 =	vor.u32 $0x100, v10;
	v45 =	vor.u32 $0x80, v10;
	v25 =	vor.u32 $0x300, v22;
	[tilespmem:v30+s12+$0x0] =	vst.idx.msk $0xffff, v54;
	v62 =	vld.idx.msk [tilespmem:v31+s4+$0x0], $0xffff  }
0x71: {  	v47 =	vor.u32 $0x80, v11;
	v41 =	vor.u32 $0x100, v11;
	v26 =	vor.u32 $0x380, v14;
	[tilespmem:v53+s12+$0x0] =	vst.idx.msk $0xffff, v24;
	v49 =	vld.idx.msk [tilespmem:v29+s4+$0x0], $0xffff  }
0x72: {  	v17 =	vor.u32 $0x280, v13;
	v14 =	vor.u32 $0x380, v15;
	v19 =	vor.u32 $0x380, v16;
	v35 =	vld.idx.msk [tilespmem:v56+s4+$0x0], $0xffff;
	[tilespmem:v6+s12+$0x0] =	vst.idx.msk $0xffff, v55  }
0x73: {  	v16 =	vor.u32 $0x300, v3;
	v15 =	vor.u32 v2, v23;
	v30 =	vor.u32 $0x380, v20;
	v36 =	vld.idx.msk [tilespmem:v13+s4+$0x0], $0xffff;
	[tilespmem:v59+s12+$0x0] =	vst.idx.msk $0xffff, v27  }
0x74: {  	s31 =	simm.s32 $0xB0;
	v23 =	vor.u32 $0x100, v9;
	v20 =	vor.u32 $0x280, v4;
	v28 =	vor.u32 $0x380, v21;
	v34 =	vld.idx.msk [tilespmem:v58+s4+$0x0], $0xffff;
	[tilespmem:v61+s12+$0x0] =	vst.idx.msk $0xffff, v39  }
0x75: {  	v21 =	vor.u32 s31, v0;
	v15 =	vor.u32 v42, v15;
	v31 =	vor.u32 $0x380, v22;
	[tilespmem:v7+s12+$0x0] =	vst.idx.msk $0xffff, v60;
	v25 =	vld.idx.msk [tilespmem:v25+s4+$0x0], $0xffff  }
0x76: {  	v22 =	vand.u32 $0x7F, v21;
	v21 =	vmov s31;
	v39 =	vor.u32 $0x80, v13;
	[tilespmem:v45+s12+$0x0] =	vst.idx.msk $0xffff, v62;
	v37 =	vld.idx.msk [tilespmem:v47+s4+$0x0], $0xffff  }
0x77: {  	v24 =	vor.u32 $0x100, v13;
	v33 =	vor.u32 $0x80, v15;
	v21 =	vshll.u32 v21, $0x3;
	[tilespmem:v48+s12+$0x0] =	vst.idx.msk $0xffff, v35;
	v35 =	vld.idx.msk [tilespmem:v46+s4+$0x0], $0xffff  }
0x78: {  	s17 =	simm.s32 $0xF0;
	s16 =	simm.s32 $0x8;
	v29 =	vand.u32 $0xC00, v21;
	v27 =	vor.u32 $0x180, v10;
	[tilespmem:v57+s12+$0x0] =	vst.idx.msk $0xffff, v49;
	v21 =	vld.idx.msk [tilespmem:v30+s4+$0x0], $0xffff;
	v30 =	vor.u32 $0x180, v8  }
.LBB2_3:
0x79: {  	s18 =	sadd.s32 $0xFFFFFFD0, s17;
	s19 =	sadd.s32 $0xFFFFFFE0, s17;
	s20 =	sadd.s32 $0xFFFFFFF0, s17;
	[tilespmem:v38+s12+$0x0] =	vst.idx.msk $0xffff, v34;
	v34 =	vor.u32 $0x180, v9;
	v38 =	vor.u32 $0x100, v7;
	v42 =	vor.u32 v29, v1;
	v26 =	vld.idx.msk [tilespmem:v26+s4+$0x0], $0xffff  }
0x7a: {  	s16 =	sadd.s32 $0x4, s16;
	v43 =	vmov s18;
	v44 =	vmov s19;
	[tilespmem:v15+s12+$0x0] =	vst.idx.msk $0xffff, v36;
	v36 =	vld.idx.msk [tilespmem:v23+s4+$0x0], $0xffff;
	v42 =	vor.u32 v22, v42  }
0x7b: {  	v45 =	vor.u32 s18, v0;
	p0 =	slt.u32 s16, $0x1C;
	v23 =	vshll.u32 v43, $0x3;
	v43 =	vshll.u32 v44, $0x3;
	v39 =	vld.idx.msk [tilespmem:v39+s4+$0x0], $0xffff;
	[tilespmem:v32+s12+$0x0] =	vst.idx.msk $0xffff, v25  }
0x7c: {  	v25 =	vor.u32 s19, v0;
	v23 =	vand.u32 $0xC00, v23;
	v32 =	vand.u32 $0xC00, v43;
	[tilespmem:v40+s12+$0x0] =	vst.idx.msk $0xffff, v37;
	v31 =	vld.idx.msk [tilespmem:v31+s4+$0x0], $0xffff  }
0x7d: {  	v40 =	vand.u32 $0x5F, v25;
	v37 =	vor.u32 v23, v1;
	v43 =	vor.u32 v32, v1;
	v41 =	vld.idx.msk [tilespmem:v41+s4+$0x0], $0xffff  }
0x7e: {  	v44 =	vmov s20;
	v25 =	vand.u32 $0x4F, v45;
	v43 =	vor.u32 v40, v43;
	v45 =	vld.idx.msk [tilespmem:v5+s4+$0x0], $0xffff;
	[tilespmem:v18+s12+$0x0] =	vst.idx.msk $0xffff, v35;
	v5 =	vmovc v17  }
0x7f: {  	v17 =	vor.u32 v2, v32;
	v18 =	vor.u32 s20, v0;
	v32 =	vshll.u32 v44, $0x3;
	v35 =	vld.idx.msk [tilespmem:v42+s10+$0x0], $0xffff;
	[tilespmem:v28+s12+$0x0] =	vst.idx.msk $0xffff, v26  }
0x80: {  	v28 =	vor.u32 v40, v17;
	v17 =	vand.u32 $0xC00, v32;
	v26 =	vor.u32 $0x180, v11;
	[tilespmem:v12+s12+$0x0] =	vst.idx.msk $0xffff, v36;
	v32 =	vld.idx.msk [tilespmem:v30+s4+$0x0], $0xffff  }
0x81: {  	v12 =	vand.u32 $0x6F, v18;
	v18 =	vor.u32 v17, v1;
	v17 =	vor.u32 v2, v17;
	v34 =	vld.idx.msk [tilespmem:v34+s4+$0x0], $0xffff  }
0x82: {  	v18 =	vor.u32 v12, v18;
	v30 =	vor.u32 v12, v17;
	v17 =	vor.u32 $0x180, v6;
	[tilespmem:v33+s12+$0x0] =	vst.idx.msk $0xffff, v39  }
0x83: {  	v36 =	vor.u32 $0x200, v9;
	v12 =	vor.u32 $0x100, v28;
	v33 =	vld.idx.msk [tilespmem:v43+s10+$0x0], $0xffff;
	[tilespmem:v19+s12+$0x0] =	vst.idx.msk $0xffff, v31;
	v19 =	vor.u32 $0x200, v8  }
0x84: {  	v31 =	vor.u32 v25, v37;
	v37 =	vor.u32 $0x200, v10;
	v24 =	vld.idx.msk [tilespmem:v24+s4+$0x0], $0xffff;
	[tilespmem:v38+s12+$0x0] =	vst.idx.msk $0xffff, v41;
	v38 =	vor.u32 $0x280, v8  }
0x85: {  	v39 =	vor.u32 $0x100, v15;
	v40 =	vand.u32 $0x7F, v35;
	v35 =	vshll.u32 v35, $0x3;
	v26 =	vld.idx.msk [tilespmem:v26+s4+$0x0], $0xffff;
	[tilespmem:v20+s12+$0x0] =	vst.idx.msk $0xffff, v45  }
0x86: {  	v41 =	vor.u32 $0x180, v7;
	v20 =	vor.u32 $0x180, v13;
	v35 =	vand.u32 $0xFFFFFC00, v35;
	v16 =	vld.idx.msk [tilespmem:v16+s4+$0x0], $0xffff;
	[tilespmem:v27+s12+$0x0] =	vst.idx.msk $0xffff, v32  }
0x87: {  	v27 =	vor.u32 v40, v35;
	v32 =	vor.u32 $0x300, v4;
	v18 =	vld.idx.msk [tilespmem:v18+s10+$0x0], $0xffff;
	[tilespmem:v17+s12+$0x0] =	vst.idx.msk $0xffff, v34;
	v17 =	vor.u32 $0x200, v11  }
0x88: {  	v35 =	vor.u32 $0x380, v3;
	v3 =	vmov v13;
	v34 =	vld.idx.msk [tilespmem:v36+s4+$0x0], $0xffff;
	[tilespmem:v14+s12+$0x0] =	vst.idx.msk $0xffff, v21  }
0x89: {  	v13 =	vor.u32 $0x200, v6;
	v14 =	vor.u32 $0x200, v7;
	v21 =	vor.u32 $0x380, v4;
	v4 =	vmovc v15;
	v19 =	vld.idx.msk [tilespmem:v19+s4+$0x0], $0xffff  }
0x8a: {  	v15 =	vld.idx.msk [tilespmem:v31+s10+$0x0], $0xffff;
	v31 =	vand.u32 $0x7F, v33;
	v33 =	vshll.u32 v33, $0x3;
	[tilespmem:v39+s12+$0x0] =	vst.idx.msk $0xffff, v24;
	v24 =	vor.u32 $0x280, v9  }
0x8b: {  	v36 =	vor.u32 $0x280, v10;
	v39 =	vor.u32 $0x300, v8;
	v33 =	vand.u32 $0xFFFFFC00, v33;
	v20 =	vld.idx.msk [tilespmem:v20+s4+$0x0], $0xffff;
	[tilespmem:v41+s12+$0x0] =	vst.idx.msk $0xffff, v26  }
0x8c: {  	v26 =	vor.u32 $0x180, v4;
	v33 =	vor.u32 v31, v33;
	v17 =	vld.idx.msk [tilespmem:v17+s4+$0x0], $0xffff;
	v31 =	vor.u32 $0x280, v11;
	[tilespmem:v32+s12+$0x0] =	vst.idx.msk $0xffff, v16  }
0x8d: {  	v29 =	vor.u32 v2, v29;
	v16 =	vshll.u32 v18, $0x3;
	v32 =	vor.u32 $0x200, v3;
	v40 =	vld.idx.msk [tilespmem:v27+s4+$0x0], $0xffff  }
0x8e: {  	v29 =	vor.u32 v22, v29;
	v18 =	vand.u32 $0x7F, v18;
	v16 =	vand.u32 $0xFFFFFC00, v16;
	[tilespmem:v13+s12+$0x0] =	vst.idx.msk $0xffff, v34;
	v22 =	vld.idx.msk [tilespmem:v35+s4+$0x0], $0xffff  }
0x8f: {  	v35 =	vor.u32 v18, v16;
	v18 =	vor.u32 $0x100, v29;
	v16 =	vld.idx.msk [tilespmem:v24+s4+$0x0], $0xffff;
	v24 =	vor.u32 $0x80, v27;
	[tilespmem:v37+s12+$0x0] =	vst.idx.msk $0xffff, v19  }
0x90: {  	v13 =	vshll.u32 v15, $0x3;
	v19 =	vor.u32 $0x280, v6;
	v34 =	vld.idx.msk [tilespmem:v38+s4+$0x0], $0xffff  }
0x91: {  	v15 =	vand.u32 $0x7F, v15;
	v13 =	vand.u32 $0xFFFFFC00, v13;
	v37 =	vld.idx.msk [tilespmem:v33+s4+$0x0], $0xffff;
	[tilespmem:v26+s12+$0x0] =	vst.idx.msk $0xffff, v20;
	v20 =	vor.u32 $0x300, v9  }
0x92: {  	v42 =	vor.u32 $0x300, v10;
	v13 =	vor.u32 v15, v13;
	v26 =	vor.u32 $0x380, v8;
	v15 =	vld.idx.msk [tilespmem:v32+s4+$0x0], $0xffff;
	[tilespmem:v14+s12+$0x0] =	vst.idx.msk $0xffff, v17  }
0x93: {  	v41 =	vor.u32 $0x200, v4;
	v38 =	vor.u32 $0x80, v33;
	v8 =	vmovc v27;
	v17 =	vor.u32 $0x280, v13;
	v43 =	vld.idx.msk [tilespmem:v31+s4+$0x0], $0xffff;
	[tilespmem:v29+s12+$0x0] =	vst.idx.msk $0xffff, v40  }
0x94: {  	v44 =	vor.u32 $0x80, v29;
	v14 =	vor.u32 $0x380, v6;
	v40 =	vor.u32 $0x280, v7;
	v27 =	vld.idx.msk [tilespmem:v35+s4+$0x0], $0xffff;
	[tilespmem:v21+s12+$0x0] =	vst.idx.msk $0xffff, v22  }
0x95: {  	v46 =	vor.u32 $0x100, v8;
	v21 =	vor.u32 $0x300, v11;
	[tilespmem:v19+s12+$0x0] =	vst.idx.msk $0xffff, v16;
	v19 =	vor.u32 $0x380, v7;
	v45 =	vld.idx.msk [tilespmem:v24+s4+$0x0], $0xffff  }
0x96: {  	v49 =	vor.u32 $0x300, v6;
	v47 =	vor.u32 $0x80, v35;
	v32 =	vor.u32 $0x300, v7;
	v6 =	vmovc v28;
	v48 =	vld.idx.msk [tilespmem:v20+s4+$0x0], $0xffff;
	[tilespmem:v36+s12+$0x0] =	vst.idx.msk $0xffff, v34  }
0x97: {  	v50 =	vor.u32 $0x380, v9;
	v31 =	vor.u32 $0x380, v11;
	v16 =	vor.u32 $0x300, v3;
	v7 =	vmovc v30;
	[tilespmem:v28+s12+$0x0] =	vst.idx.msk $0xffff, v37;
	v51 =	vld.idx.msk [tilespmem:v39+s4+$0x0], $0xffff  }
0x98: {  	v9 =	vmovc v33;
	v24 =	vor.u32 $0x100, v13;
	v20 =	vor.u32 $0x280, v4;
	v28 =	vor.u32 $0x380, v10;
	v34 =	vld.idx.msk [tilespmem:v38+s4+$0x0], $0xffff;
	[tilespmem:v41+s12+$0x0] =	vst.idx.msk $0xffff, v15  }
.Ltmp0:
0x99: {  	v52 =	vor.u32 s17, v0;
	v41 =	vor.u32 v2, v23;
	v38 =	vor.u32 $0x80, v6;
	v36 =	vld.idx.msk [tilespmem:v13+s4+$0x0], $0xffff;
	[tilespmem:v40+s12+$0x0] =	vst.idx.msk $0xffff, v43;
	(pc) =	sbr.rel @p0 .LBB2_3-.Ltmp0, $4  }
0x9a: {  	v22 =	vand.u32 $0x7F, v52;
	v23 =	vor.u32 $0x100, v9;
	v15 =	vor.u32 v25, v41;
	[tilespmem:v30+s12+$0x0] =	vst.idx.msk $0xffff, v27;
	v25 =	vld.idx.msk [tilespmem:v21+s4+$0x0], $0xffff  }
0x9b: {  	v11 =	vmovc v35;
	v39 =	vor.u32 $0x80, v13;
	v10 =	vmovc v29;
	v33 =	vor.u32 $0x80, v15;
	v21 =	vmov s17;
	v37 =	vld.idx.msk [tilespmem:v47+s4+$0x0], $0xffff;
	[tilespmem:v44+s12+$0x0] =	vst.idx.msk $0xffff, v45  }
0x9c: {  	v40 =	vor.u32 $0x80, v7;
	v27 =	vor.u32 $0x180, v10;
	v21 =	vshll.u32 v21, $0x3;
	[tilespmem:v49+s12+$0x0] =	vst.idx.msk $0xffff, v48;
	v35 =	vld.idx.msk [tilespmem:v46+s4+$0x0], $0xffff  }
0x9d: {  	v41 =	vor.u32 $0x100, v11;
	s17 =	sadd.s32 $0x40, s17;
	v30 =	vor.u32 $0x180, v8;
	v29 =	vand.u32 $0xC00, v21;
	v21 =	vld.idx.msk [tilespmem:v50+s4+$0x0], $0xffff;
	[tilespmem:v42+s12+$0x0] =	vst.idx.msk $0xffff, v51  }
0x9e: {  	v1 =	vor.u32 v29, v1  }
0x9f: {  	v1 =	vor.u32 v22, v1;
	_ =	sdelay $0x4  }
0xa0: {  	v1 =	vld.idx.msk [tilespmem:v1+s10+$0x0], $0xffff;
	_ =	sdelay $0x4  }
0xa1: {  	v42 =	vshll.u32 v1, $0x3  }
0xa2: {  	v1 =	vand.u32 $0x7F, v1;
	v42 =	vand.u32 $0xFFFFFC00, v42  }
0xa3: {  	v42 =	vor.u32 v1, v42;
	_ =	sdelay $0x3  }
0xa4: {  	v1 =	vor.u32 v2, v29  }
0xa5: {  	v1 =	vor.u32 v22, v1;
	v2 =	vld.idx.msk [tilespmem:v42+s4+$0x0], $0xffff  }
0xa6: {  	v59 =	vor.u32 $0x80, v42;
	_ =	sdelay $0x2  }
0xa7: {  	[tilespmem:v15+s12+$0x0] =	vst.idx.msk $0xffff, v36  }
0xa8: {  	v60 =	vld.idx.msk [tilespmem:v39+s4+$0x0], $0xffff;
	[tilespmem:v1+s12+$0x0] =	vst.idx.msk $0xffff, v2  }
0xa9: {  	v2 =	vor.u32 $0x80, v1;
	v22 =	vld.idx.msk [tilespmem:v59+s4+$0x0], $0xffff  }
0xaa: {  	[tilespmem:v38+s12+$0x0] =	vst.idx.msk $0xffff, v34;
	v61 =	vor.u32 $0x100, v42  }
0xab: {  	[tilespmem:v40+s12+$0x0] =	vst.idx.msk $0xffff, v37  }
0xac: {  	v62 =	vor.u32 $0x100, v7;
	[tilespmem:v32+s12+$0x0] =	vst.idx.msk $0xffff, v25;
	v37 =	vld.idx.msk [tilespmem:v41+s4+$0x0], $0xffff  }
0xad: {  	v38 =	vor.u32 $0x180, v11;
	v23 =	vld.idx.msk [tilespmem:v23+s4+$0x0], $0xffff;
	[tilespmem:v33+s12+$0x0] =	vst.idx.msk $0xffff, v60  }
0xae: {  	v39 =	vor.u32 $0x180, v9;
	v40 =	vor.u32 $0x100, v15;
	v24 =	vld.idx.msk [tilespmem:v24+s4+$0x0], $0xffff;
	[tilespmem:v2+s12+$0x0] =	vst.idx.msk $0xffff, v22  }
0xaf: {  	[tilespmem:v18+s12+$0x0] =	vst.idx.msk $0xffff, v35;
	v41 =	vor.u32 $0x100, v1;
	v2 =	vor.u32 $0x180, v13;
	v22 =	vld.idx.msk [tilespmem:v61+s4+$0x0], $0xffff  }
0xb0: {  	v26 =	vld.idx.msk [tilespmem:v26+s4+$0x0], $0xffff;
	[tilespmem:v14+s12+$0x0] =	vst.idx.msk $0xffff, v21;
	v43 =	vor.u32 $0x180, v42  }
0xb1: {  	v44 =	vld.idx.msk [tilespmem:v30+s4+$0x0], $0xffff;
	[tilespmem:v62+s12+$0x0] =	vst.idx.msk $0xffff, v37  }
0xb2: {  	v45 =	vor.u32 $0x200, v8;
	v47 =	vor.u32 $0x180, v7;
	[tilespmem:v12+s12+$0x0] =	vst.idx.msk $0xffff, v23;
	v46 =	vld.idx.msk [tilespmem:v38+s4+$0x0], $0xffff  }
0xb3: {  	v48 =	vor.u32 $0x180, v6;
	v49 =	vor.u32 $0x200, v11;
	[tilespmem:v40+s12+$0x0] =	vst.idx.msk $0xffff, v24;
	v29 =	vld.idx.msk [tilespmem:v39+s4+$0x0], $0xffff  }
0xb4: {  	v50 =	vor.u32 $0x200, v9;
	v51 =	vor.u32 $0x180, v15;
	v2 =	vld.idx.msk [tilespmem:v2+s4+$0x0], $0xffff;
	[tilespmem:v41+s12+$0x0] =	vst.idx.msk $0xffff, v22  }
0xb5: {  	v52 =	vor.u32 $0x200, v13;
	[tilespmem:v28+s12+$0x0] =	vst.idx.msk $0xffff, v26;
	v53 =	vor.u32 $0x180, v1;
	v22 =	vld.idx.msk [tilespmem:v43+s4+$0x0], $0xffff  }
0xb6: {  	v31 =	vld.idx.msk [tilespmem:v31+s4+$0x0], $0xffff;
	[tilespmem:v27+s12+$0x0] =	vst.idx.msk $0xffff, v44;
	v54 =	vor.u32 $0x200, v42  }
0xb7: {  	v55 =	vor.u32 $0x200, v10;
	v12 =	vld.idx.msk [tilespmem:v45+s4+$0x0], $0xffff;
	[tilespmem:v47+s12+$0x0] =	vst.idx.msk $0xffff, v46  }
0xb8: {  	v56 =	vor.u32 $0x280, v8;
	v57 =	vor.u32 $0x200, v7;
	v58 =	vld.idx.msk [tilespmem:v49+s4+$0x0], $0xffff;
	[tilespmem:v48+s12+$0x0] =	vst.idx.msk $0xffff, v29  }
0xb9: {  	v60 =	vor.u32 $0x280, v11;
	v24 =	vld.idx.msk [tilespmem:v50+s4+$0x0], $0xffff;
	v59 =	vor.u32 $0x200, v6;
	[tilespmem:v51+s12+$0x0] =	vst.idx.msk $0xffff, v2  }
0xba: {  	v61 =	vor.u32 $0x200, v15;
	v2 =	vor.u32 $0x280, v9;
	v18 =	vld.idx.msk [tilespmem:v52+s4+$0x0], $0xffff;
	[tilespmem:v53+s12+$0x0] =	vst.idx.msk $0xffff, v22  }
0xbb: {  	[tilespmem:v19+s12+$0x0] =	vst.idx.msk $0xffff, v31;
	v62 =	vor.u32 $0x200, v1;
	v19 =	vld.idx.msk [tilespmem:v54+s4+$0x0], $0xffff  }
0xbc: {  	v5 =	vld.idx.msk [tilespmem:v5+s4+$0x0], $0xffff;
	v32 =	vor.u32 $0x280, v42;
	[tilespmem:v55+s12+$0x0] =	vst.idx.msk $0xffff, v12  }
0xbd: {  	v33 =	vor.u32 $0x280, v10;
	v34 =	vld.idx.msk [tilespmem:v56+s4+$0x0], $0xffff;
	[tilespmem:v57+s12+$0x0] =	vst.idx.msk $0xffff, v58  }
0xbe: {  	v35 =	vor.u32 $0x300, v8;
	v37 =	vor.u32 $0x280, v7;
	v36 =	vld.idx.msk [tilespmem:v60+s4+$0x0], $0xffff;
	[tilespmem:v59+s12+$0x0] =	vst.idx.msk $0xffff, v24  }
0xbf: {  	v38 =	vor.u32 $0x280, v6;
	v39 =	vor.u32 $0x300, v11;
	v2 =	vld.idx.msk [tilespmem:v2+s4+$0x0], $0xffff;
	[tilespmem:v61+s12+$0x0] =	vst.idx.msk $0xffff, v18  }
0xc0: {  	v40 =	vor.u32 $0x300, v9;
	v41 =	vor.u32 $0x280, v15;
	v17 =	vld.idx.msk [tilespmem:v17+s4+$0x0], $0xffff;
	[tilespmem:v62+s12+$0x0] =	vst.idx.msk $0xffff, v19  }
0xc1: {  	[tilespmem:v20+s12+$0x0] =	vst.idx.msk $0xffff, v5;
	v44 =	vor.u32 $0x280, v1;
	v43 =	vor.u32 $0x300, v13;
	v12 =	vld.idx.msk [tilespmem:v32+s4+$0x0], $0xffff  }
0xc2: {  	v16 =	vld.idx.msk [tilespmem:v16+s4+$0x0], $0xffff;
	v45 =	vor.u32 $0x300, v4;
	v46 =	vor.u32 $0x300, v42;
	[tilespmem:v33+s12+$0x0] =	vst.idx.msk $0xffff, v34  }
0xc3: {  	v3 =	vor.u32 $0x380, v3;
	v47 =	vor.u32 $0x300, v10;
	[tilespmem:v37+s12+$0x0] =	vst.idx.msk $0xffff, v36;
	v22 =	vld.idx.msk [tilespmem:v35+s4+$0x0], $0xffff  }
0xc4: {  	v48 =	vor.u32 $0x380, v8;
	v49 =	vld.idx.msk [tilespmem:v39+s4+$0x0], $0xffff;
	[tilespmem:v38+s12+$0x0] =	vst.idx.msk $0xffff, v2;
	v2 =	vor.u32 $0x300, v7  }
0xc5: {  	v50 =	vor.u32 $0x300, v6;
	v51 =	vor.u32 $0x380, v11;
	v18 =	vld.idx.msk [tilespmem:v40+s4+$0x0], $0xffff;
	[tilespmem:v41+s12+$0x0] =	vst.idx.msk $0xffff, v17  }
0xc6: {  	v52 =	vor.u32 $0x380, v9;
	v53 =	vor.u32 $0x300, v15;
	v5 =	vld.idx.msk [tilespmem:v43+s4+$0x0], $0xffff;
	[tilespmem:v44+s12+$0x0] =	vst.idx.msk $0xffff, v12  }
0xc7: {  	[tilespmem:v45+s12+$0x0] =	vst.idx.msk $0xffff, v16;
	v55 =	vor.u32 $0x300, v1;
	v54 =	vor.u32 $0x380, v13;
	v14 =	vld.idx.msk [tilespmem:v46+s4+$0x0], $0xffff  }
0xc8: {  	v56 =	vor.u32 $0x380, v4;
	v3 =	vld.idx.msk [tilespmem:v3+s4+$0x0], $0xffff;
	v57 =	vor.u32 $0x380, v42;
	[tilespmem:v47+s12+$0x0] =	vst.idx.msk $0xffff, v22  }
0xc9: {  	v58 =	vor.u32 $0x380, v10;
	v8 =	vld.idx.msk [tilespmem:v48+s4+$0x0], $0xffff;
	[tilespmem:v2+s12+$0x0] =	vst.idx.msk $0xffff, v49  }
0xca: {  	v2 =	vor.u32 $0x380, v7;
	[tilespmem:v50+s12+$0x0] =	vst.idx.msk $0xffff, v18;
	v59 =	vld.idx.msk [tilespmem:v51+s4+$0x0], $0xffff  }
0xcb: {  	v60 =	vor.u32 $0x380, v6;
	v9 =	vld.idx.msk [tilespmem:v52+s4+$0x0], $0xffff;
	[tilespmem:v53+s12+$0x0] =	vst.idx.msk $0xffff, v5  }
0xcc: {  	v61 =	vor.u32 $0x380, v15;
	v62 =	vld.idx.msk [tilespmem:v54+s4+$0x0], $0xffff;
	[tilespmem:v55+s12+$0x0] =	vst.idx.msk $0xffff, v14  }
0xcd: {  	s16 =	sshll.u32 s15, $0x11;
	s17 =	sshll.u32 s15, $0xC;
	s15 =	sadd.s32 $0x1, s15;
	[tilespmem:v56+s12+$0x0] =	vst.idx.msk $0xffff, v3;
	v1 =	vor.u32 $0x380, v1;
	v3 =	vld.idx.msk [tilespmem:v57+s4+$0x0], $0xffff  }
0xce: {  	p0 =	sne.s32 s15, $0x1A;
	[tilespmem:v58+s12+$0x0] =	vst.idx.msk $0xffff, v8  }
.Ltmp1:
0xcf: {  	[tilespmem:v2+s12+$0x0] =	vst.idx.msk $0xffff, v59;
	(pc) =	sbr.rel @p0 .LBB2_2-.Ltmp1, $4  }
0xd0: {  	s16 =	sor.u32 s5, s16;
	[tilespmem:v60+s12+$0x0] =	vst.idx.msk $0xffff, v9  }
0xd1: {  	s17 =	sand.u32 $0x3FFFF000, s17;
	s16 =	sshrl.u32 s16, $0x3;
	[tilespmem:v61+s12+$0x0] =	vst.idx.msk $0xffff, v62  }
0xd2: {  	s17 =	sadd.s32 $0x6000, s17;
	s16 =	sadd.s32 s3, s16;
	[tilespmem:v1+s12+$0x0] =	vst.idx.msk $0xffff, v3  }
0xd3: {  	[hbm4b:s16+s4] =	stream.linear.scatter [tilespmem:s17], [sflag:$0x2], $0x1000, $0x38;
	v63 =	vld [tilespmem:$0x0]  }
0xd4: {  	s14 =	sadd.s32 $0x1, s14  }
0xd5: {  	p0 =	sne.s32 s14, s7  }
.Ltmp2:
0xd6: {  	_ = 	snop;
	(pc) =	sbr.rel @p0 .LBB2_1-.Ltmp2, $4  }
0xd7: {  	_ = 	snop  }
0xd8: {  	_ =	swait.ge [sflag:s13], $0x1A000  }
0xd9: {  	[sflag:s13] =	ssyncset.done $0x0  }
0xda: {  	[sflag:s13] =	ssyncadd.s32 $0xFFFE6000  }
0xdb: {  	_ =	sfence.sel $0x180000  }
0xdc: {  	[bflag:$0x0] =	sbarrier.arrive $0xFFFF  }
0xdd: {  	p0 =	sne.s32 s2, $0x0;
	_ =	strace $0x90000047  }
0xde: {  	s0 =	sadd.s32 @!p0 $0x100000, s0;
	[bflag:$0x2] =	sbarrier.arrive $0xFFFF  }
0xdf: {  	[sflag:s0] =	ssyncadd.tile.s32 @!p0 $0x1;
	_ =	shalt  }
.Lfunc_end2:
_tile_overlayer_lowered:
.L_overlay_start_2:
0xe0: {  	(tag) =	ssettag $0x2  }
0xe1: {  	s0 =	rddreg [dreg:$0x0];
	s2 =	stileid.u32  }
0xe2: {  	s1 =	rddreg [dreg:$0x1];
	p0 =	sne.s32 s2, $0x0  }
0xe3: {  	s3 =	rddreg [dreg:$0x2];
	[bflag:$0x3] =	sbarrier.arrive $0xFFFF;
	s2 =	simm.s32 @!p0 $0x1C03  }
0xe4: {  	[timem:s3], [sflag:s2] =	dma.local @!p0 [hbm:s0], s1  }
0xe5: {  	s0 =	simm.s32 @!p0 $0x3  }
0xe6: {  	_ =	swait.ge @!p0 [sflag:s0], s1  }
0xe7: {  	s1 =	ssub.s32 @!p0 $0x0, s1;
	[sflag:s0] =	ssyncset.done @!p0 $0x0  }
0xe8: {  	[sflag:s0] =	ssyncadd.s32 @!p0 s1  }
0xe9: {  	[bflag:$0x3] =	sbarrier.arrive $0xFFFF  }
0xea: {  	_ =	shalt  }

</sc_bundles>
